<compile_context>
chip_gen: v7x
topology: tpu7x:2x2x1
jax: 0.10.2.dev20260603
libtpu: 0.0.44.dev20260713+nightly
codegen_flags: <defaults>
</compile_context>

<pallas_src>
import dataclasses
import functools

import jax
import jax.numpy as jnp
from jax import lax
from jax.experimental import pallas as pl
from jax.experimental.pallas import tpu as pltpu
from jax.experimental.pallas import tpu_sc as plsc

_BLOCK_E = 5000
_SLAB = 5120
_CHUNK = 512
_TAIL = 392
_LANES = 16


def _recip_t_sc_kernel(cs_hbm, out_hbm, cs_v, out_v):
    wid = lax.axis_index("s") * 2 + lax.axis_index("c")

    @pl.when(wid < 20)
    def _():
        blk = wid // 10
        k = wid % 10
        base = blk * _BLOCK_E + k * _CHUNK

        @pl.when(k < 9)
        def _():
            pltpu.sync_copy(cs_hbm.at[pl.ds(base, _CHUNK), :], cs_v)

        @pl.when(k == 9)
        def _():
            pltpu.sync_copy(cs_hbm.at[pl.ds(base, _TAIL), :],
                            cs_v.at[pl.ds(0, _TAIL), :])

        def body(j, carry):
            rows = j * _LANES + lax.iota(jnp.int32, _LANES)
            for r in range(16):
                cols = jnp.full((_LANES,), r, jnp.int32)
                v = plsc.load_gather(cs_v, [rows, cols])
                out_v[r, pl.ds(j * _LANES, _LANES)] = 1.0 / v
            return carry

        lax.fori_loop(0, _CHUNK // _LANES, body, 0)
        pltpu.sync_copy(out_v, out_hbm.at[blk, :, pl.ds(k * _CHUNK, _CHUNK)])


def _recip_t_sc(cs):
    E, R = cs.shape
    mesh = plsc.VectorSubcoreMesh(core_axis_name="c", subcore_axis_name="s")
    cp = pltpu.CompilerParams()
    if "needs_layout_passes" in pltpu.CompilerParams.__dataclass_fields__:
        cp = dataclasses.replace(cp, needs_layout_passes=False)
    return functools.partial(
        pl.kernel,
        mesh=mesh,
        compiler_params=cp,
        out_type=jax.ShapeDtypeStruct((E // _BLOCK_E, R, _SLAB), jnp.float32),
        scratch_types=[
            pltpu.VMEM((_CHUNK, R), jnp.float32),
            pltpu.VMEM((R, _CHUNK), jnp.float32),
        ],
    )(_recip_t_sc_kernel)(cs)


def _rgcn_block_kernel(x_ref, rt_ref, w_ref, o_ref):
    wsum = jnp.sum(w_ref[...], axis=1)
    recip_t = rt_ref[0][:, : _BLOCK_E]
    a = jax.lax.dot_general(
        recip_t, wsum,
        dimension_numbers=(((0,), (0,)), ((), ())),
        preferred_element_type=jnp.float32,
    )
    o_ref[...] = jnp.sum(x_ref[...], axis=1, keepdims=True) * a


def kernel(x, edge_index, W, cs):
    del edge_index
    E, J = x.shape
    R, I, O = W.shape
    recip_t = _recip_t_sc(cs)
    be = _BLOCK_E
    grid = (E // be,)
    return pl.pallas_call(
        _rgcn_block_kernel,
        grid=grid,
        in_specs=[
            pl.BlockSpec((be, J), lambda i: (i, 0)),
            pl.BlockSpec((1, R, _SLAB), lambda i: (i, 0, 0)),
            pl.BlockSpec((R, I, O), lambda i: (0, 0, 0)),
        ],
        out_specs=pl.BlockSpec((be, O), lambda i: (i, 0)),
        out_shape=jax.ShapeDtypeStruct((E, O), jnp.float32),
    )(x, recip_t, W)

# --- scband reference (transcript-rebuilt; emitter-appended) ---
"""Pipeline reference for scband-rgcn-70566312673746 (READ-ONLY COPY).

The authoritative reference and input builder live on the scoring server;
editing this copy changes nothing except your own understanding.
"""

import jax, jax.numpy as jnp
import numpy as np

N_ENTITIES = 10000
N_RELATIONS = 16
IN_CHANNELS = 128
OUT_CHANNELS = 128
N_EDGES = 320000


def setup_inputs(seed: int = 0) -> dict:
    key = jax.random.key(seed)
    k_x, k_ei, k_W, k_cs = jax.random.split(key, 4)
    x = jax.random.normal(k_x, (N_ENTITIES, IN_CHANNELS), dtype=jnp.float32)
    edge_index = jax.random.randint(k_ei, (2, N_EDGES), 0, N_ENTITIES, dtype=jnp.int64)
    # learned parameters
    W = jax.random.normal(k_W, (N_RELATIONS, IN_CHANNELS, OUT_CHANNELS), dtype=jnp.float32) * 0.02
    # cs is divided by (1/cs); keep it away from zero
    cs = jax.random.uniform(k_cs, (N_ENTITIES, N_RELATIONS), dtype=jnp.float32, minval=1.0, maxval=2.0)
    return {"x": x, "edge_index": edge_index, "W": W, "cs": cs}


def reference(x, edge_index, W, cs):
    # Faithful translation of the torch forward:
    #   cs_reciprocal = 1 / self.cs
    #   src = torch.einsum('er,rio,ej -> eo', cs_reciprocal, self.W, x)
    # (edge_index is accepted by forward but unused in the shown computation;
    #  src is the forward output.)
    cs_reciprocal = 1.0 / cs
    src = jnp.einsum('er,rio,ej->eo', cs_reciprocal, W, x)
    return src

if __name__ == "__main__":
    import jax
    _d = setup_inputs()
    print(jax.jit(kernel)(*tuple(_d.values())))

</pallas_src>

<mosaic_0001>
#map = affine_map<(d0, d1) -> (0, 0)>
#map1 = affine_map<(d0, d1) -> (0, 0, 0)>
module attributes {stable_mosaic.version = 14 : i64} {
  func.func @_recip_t_sc_kernel(%arg0: i32, %arg1: i32, %arg2: memref<10000x16xf32, #tpu.memory_space<hbm>>, %arg3: memref<2x16x5120xf32, #tpu.memory_space<hbm>>, %arg4: memref<512x16xf32, #tpu.memory_space<vmem>>, %arg5: memref<16x512xf32, #tpu.memory_space<vmem>>) attributes {dimension_semantics = [#tpu.dimension_semantics<core_parallel>, #tpu.dimension_semantics<subcore_parallel>], iteration_bounds = array<i64: 2, 16>, scalar_prefetch = 0 : i64, scratch_operands = 2 : i64, tpu.core_type = #tpu.core_type<sc_vector_subcore>, window_params = [{transform_indices = #map}, {transform_indices = #map1}]} {
    %mul3A = arith.constant 2 : i32
    %mul3A_0 = arith.muli %arg1, %mul3A : i32
    %add3A = arith.addi %mul3A_0, %arg0 : i32
    %lt3A = arith.constant 20 : i32
    %lt3A_1 = arith.cmpi slt, %add3A, %lt3A : i32
    %convert_element_type3A = arith.extui %lt3A_1 : i1 to i32
    %cond3A = arith.constant 0 : i32
    %cond3A_2 = arith.cmpi ne, %convert_element_type3A, %cond3A : i32
    scf.if %cond3A_2 {
      %jit3A = arith.constant 10 : i32
      %div3A = arith.divsi %add3A, %jit3A : i32
      %sign3A = arith.constant 0 : i32
      %sign3A_3 = arith.cmpi sgt, %add3A, %sign3A : i32
      %sign3A_4 = arith.extui %sign3A_3 : i1 to i32
      %sign3A_5 = arith.constant 0 : i32
      %sign3A_6 = arith.cmpi slt, %add3A, %sign3A_5 : i32
      %sign3A_7 = arith.extui %sign3A_6 : i1 to i32
      %sign3A_8 = arith.subi %sign3A_4, %sign3A_7 : i32
      %sign3A_9 = arith.constant 0 : i32
      %sign3A_10 = arith.cmpi sgt, %jit3A, %sign3A_9 : i32
      %sign3A_11 = arith.extui %sign3A_10 : i1 to i32
      %sign3A_12 = arith.constant 0 : i32
      %sign3A_13 = arith.cmpi slt, %jit3A, %sign3A_12 : i32
      %sign3A_14 = arith.extui %sign3A_13 : i1 to i32
      %sign3A_15 = arith.subi %sign3A_11, %sign3A_14 : i32
      %ne3A = arith.cmpi ne, %sign3A_8, %sign3A_15 : i32
      %rem3A = arith.remsi %add3A, %jit3A : i32
      %ne3A_16 = arith.constant 0 : i32
      %ne3A_17 = arith.cmpi ne, %rem3A, %ne3A_16 : i32
      %and3A = arith.andi %ne3A, %ne3A_17 : i1
      %sub3A = arith.constant 1 : i32
      %sub3A_18 = arith.subi %div3A, %sub3A : i32
      %select_n3A = arith.select %and3A, %sub3A_18, %div3A : i32
      %jit3A_19 = arith.constant 10 : i32
      %eq3A = arith.constant 0 : i32
      %eq3A_20 = arith.cmpi eq, %jit3A_19, %eq3A : i32
      %jit3A_21 = arith.constant 1 : i32
      %select_n3A_22 = arith.select %eq3A_20, %jit3A_21, %jit3A_19 : i32
      %rem3A_23 = arith.remsi %add3A, %select_n3A_22 : i32
      %ne3A_24 = arith.constant 0 : i32
      %ne3A_25 = arith.cmpi ne, %rem3A_23, %ne3A_24 : i32
      %lt3A_26 = arith.constant 0 : i32
      %lt3A_27 = arith.cmpi slt, %rem3A_23, %lt3A_26 : i32
      %lt3A_28 = arith.constant 0 : i32
      %lt3A_29 = arith.cmpi slt, %select_n3A_22, %lt3A_28 : i32
      %ne3A_30 = arith.xori %lt3A_27, %lt3A_29 : i1
      %and3A_31 = arith.andi %ne3A_30, %ne3A_25 : i1
      %add3A_32 = arith.addi %rem3A_23, %select_n3A_22 : i32
      %select_n3A_33 = arith.select %and3A_31, %add3A_32, %rem3A_23 : i32
      %mul3A_34 = arith.constant 5000 : i32
      %mul3A_35 = arith.muli %select_n3A, %mul3A_34 : i32
      %mul3A_36 = arith.constant 512 : i32
      %mul3A_37 = arith.muli %select_n3A_33, %mul3A_36 : i32
      %add3A_38 = arith.addi %mul3A_35, %mul3A_37 : i32
      %lt3A_39 = arith.constant 9 : i32
      %lt3A_40 = arith.cmpi slt, %select_n3A_33, %lt3A_39 : i32
      %convert_element_type3A_41 = arith.extui %lt3A_40 : i1 to i32
      %cond3A_42 = arith.constant 0 : i32
      %cond3A_43 = arith.cmpi ne, %convert_element_type3A_41, %cond3A_42 : i32
      scf.if %cond3A_43 {
        "tpu.region"() ({
          %run_scoped3A = tpu.sem_alloc : memref<!tpu.dma_semaphore, #tpu.memory_space<semaphore_mem>>
          %dma_start3A = arith.constant 0 : i32
          %dma_start3A_56 = tpu.memref_slice %arg2[%add3A_38, %dma_start3A] : memref<10000x16xf32, #tpu.memory_space<hbm>> -> memref<512x16xf32, #tpu.memory_space<hbm>>
          %dma_start3A_57 = arith.constant 0 : i32
          %dma_start3A_58 = tpu.memref_slice %arg2[%add3A_38, %dma_start3A_57] : memref<10000x16xf32, #tpu.memory_space<hbm>> -> memref<512x16xf32, #tpu.memory_space<hbm>>
          tpu.enqueue_dma source(%dma_start3A_58 : memref<512x16xf32, #tpu.memory_space<hbm>>) target(%arg4 : memref<512x16xf32, #tpu.memory_space<vmem>>) target_semaphore(%run_scoped3A : memref<!tpu.dma_semaphore, #tpu.memory_space<semaphore_mem>>)
          %dma_wait3A = arith.constant 0 : i32
          %dma_wait3A_59 = tpu.memref_slice %arg2[%add3A_38, %dma_wait3A] : memref<10000x16xf32, #tpu.memory_space<hbm>> -> memref<512x16xf32, #tpu.memory_space<hbm>>
          %dma_wait3A_60 = arith.constant 0 : i32
          %dma_wait3A_61 = tpu.memref_slice %arg2[%add3A_38, %dma_wait3A_60] : memref<10000x16xf32, #tpu.memory_space<hbm>> -> memref<512x16xf32, #tpu.memory_space<hbm>>
          tpu.wait_dma2 semaphore(%run_scoped3A : memref<!tpu.dma_semaphore, #tpu.memory_space<semaphore_mem>>) src(%dma_wait3A_61 : memref<512x16xf32, #tpu.memory_space<hbm>>) dst(%arg4 : memref<512x16xf32, #tpu.memory_space<vmem>>)
          tpu.yield
        }) : () -> ()
      } else {
      }
      %eq3A_44 = arith.constant 9 : i32
      %eq3A_45 = arith.cmpi eq, %select_n3A_33, %eq3A_44 : i32
      %convert_element_type3A_46 = arith.extui %eq3A_45 : i1 to i32
      %cond3A_47 = arith.constant 0 : i32
      %cond3A_48 = arith.cmpi ne, %convert_element_type3A_46, %cond3A_47 : i32
      scf.if %cond3A_48 {
        "tpu.region"() ({
          %run_scoped3A = tpu.sem_alloc : memref<!tpu.dma_semaphore, #tpu.memory_space<semaphore_mem>>
          %dma_start3A = arith.constant 0 : i32
          %dma_start3A_56 = arith.constant 0 : i32
          %dma_start3A_57 = tpu.memref_slice %arg4[%dma_start3A, %dma_start3A_56] : memref<512x16xf32, #tpu.memory_space<vmem>> -> memref<392x16xf32, #tpu.memory_space<vmem>>
          %dma_start3A_58 = arith.constant 0 : i32
          %dma_start3A_59 = tpu.memref_slice %arg2[%add3A_38, %dma_start3A_58] : memref<10000x16xf32, #tpu.memory_space<hbm>> -> memref<392x16xf32, #tpu.memory_space<hbm>>
          %dma_start3A_60 = arith.constant 0 : i32
          %dma_start3A_61 = arith.constant 0 : i32
          %dma_start3A_62 = tpu.memref_slice %arg4[%dma_start3A_60, %dma_start3A_61] : memref<512x16xf32, #tpu.memory_space<vmem>> -> memref<392x16xf32, #tpu.memory_space<vmem>>
          %dma_start3A_63 = arith.constant 0 : i32
          %dma_start3A_64 = tpu.memref_slice %arg2[%add3A_38, %dma_start3A_63] : memref<10000x16xf32, #tpu.memory_space<hbm>> -> memref<392x16xf32, #tpu.memory_space<hbm>>
          tpu.enqueue_dma source(%dma_start3A_64 : memref<392x16xf32, #tpu.memory_space<hbm>>) target(%dma_start3A_62 : memref<392x16xf32, #tpu.memory_space<vmem>>) target_semaphore(%run_scoped3A : memref<!tpu.dma_semaphore, #tpu.memory_space<semaphore_mem>>)
          %dma_wait3A = arith.constant 0 : i32
          %dma_wait3A_65 = arith.constant 0 : i32
          %dma_wait3A_66 = tpu.memref_slice %arg4[%dma_wait3A, %dma_wait3A_65] : memref<512x16xf32, #tpu.memory_space<vmem>> -> memref<392x16xf32, #tpu.memory_space<vmem>>
          %dma_wait3A_67 = arith.constant 0 : i32
          %dma_wait3A_68 = tpu.memref_slice %arg2[%add3A_38, %dma_wait3A_67] : memref<10000x16xf32, #tpu.memory_space<hbm>> -> memref<392x16xf32, #tpu.memory_space<hbm>>
          %dma_wait3A_69 = arith.constant 0 : i32
          %dma_wait3A_70 = arith.constant 0 : i32
          %dma_wait3A_71 = tpu.memref_slice %arg4[%dma_wait3A_69, %dma_wait3A_70] : memref<512x16xf32, #tpu.memory_space<vmem>> -> memref<392x16xf32, #tpu.memory_space<vmem>>
          %dma_wait3A_72 = arith.constant 0 : i32
          %dma_wait3A_73 = tpu.memref_slice %arg2[%add3A_38, %dma_wait3A_72] : memref<10000x16xf32, #tpu.memory_space<hbm>> -> memref<392x16xf32, #tpu.memory_space<hbm>>
          tpu.wait_dma2 semaphore(%run_scoped3A : memref<!tpu.dma_semaphore, #tpu.memory_space<semaphore_mem>>) src(%dma_wait3A_73 : memref<392x16xf32, #tpu.memory_space<hbm>>) dst(%dma_wait3A_71 : memref<392x16xf32, #tpu.memory_space<vmem>>)
          tpu.yield
        }) : () -> ()
      } else {
      }
      %scan3A = arith.constant 0 : i32
      %scan3A_49 = arith.constant 0 : i32
      %scan3A_50 = arith.constant 32 : i32
      %scan3A_51 = arith.addi %scan3A_49, %scan3A_50 : i32
      %scan3A_52 = arith.constant 1 : i32
      scf.for %scan3A_56 = %scan3A_49 to %scan3A_51 step %scan3A_52  : i32 {
        %mul3A_57 = arith.constant 16 : i32
        %mul3A_58 = arith.muli %scan3A_56, %mul3A_57 : i32
        %iota3A = tpu.iota {dimensions = array<i32: 0>} : vector<16xi32>
        %add3A_59 = vector.broadcast %mul3A_58 : i32 to vector<16xi32>
        %add3A_60 = arith.addi %add3A_59, %iota3A : vector<16xi32>
        %broadcast_in_dim3A = arith.constant 0 : i32
        %broadcast_in_dim3A_61 = vector.broadcast %broadcast_in_dim3A : i32 to vector<16xi32>
        %gather3A = tpu.vector_load_idx %arg4[%add3A_60, %broadcast_in_dim3A_61] : memref<512x16xf32, #tpu.memory_space<vmem>>[vector<16xi32>, vector<16xi32>], vector<16xf32>,
        %div3A_62 = arith.constant 1.000000e+00 : f32
        %div3A_63 = vector.broadcast %div3A_62 : f32 to vector<16xf32>
        %div3A_64 = arith.divf %div3A_63, %gather3A : vector<16xf32>
        %mul3A_65 = arith.constant 16 : i32
        %mul3A_66 = arith.muli %scan3A_56, %mul3A_65 : i32
        %swap3A = arith.constant 0 : i32
        %swap3A_67 = arith.index_cast %swap3A : i32 to index
        %swap3A_68 = arith.index_cast %mul3A_66 : i32 to index
        %swap3A_69 = tpu.vector_load %arg5[%swap3A_67, %swap3A_68] {strides = array<i32>} : memref<16x512xf32, #tpu.memory_space<vmem>>, vector<16xf32>,
        tpu.vector_store %arg5[%swap3A_67, %swap3A_68], %div3A_64 {strides = array<i32>} : memref<16x512xf32, #tpu.memory_space<vmem>>, vector<16xf32>,
        %broadcast_in_dim3A_70 = arith.constant 1 : i32
        %broadcast_in_dim3A_71 = vector.broadcast %broadcast_in_dim3A_70 : i32 to vector<16xi32>
        %gather3A_72 = tpu.vector_load_idx %arg4[%add3A_60, %broadcast_in_dim3A_71] : memref<512x16xf32, #tpu.memory_space<vmem>>[vector<16xi32>, vector<16xi32>], vector<16xf32>,
        %div3A_73 = arith.constant 1.000000e+00 : f32
        %div3A_74 = vector.broadcast %div3A_73 : f32 to vector<16xf32>
        %div3A_75 = arith.divf %div3A_74, %gather3A_72 : vector<16xf32>
        %mul3A_76 = arith.constant 16 : i32
        %mul3A_77 = arith.muli %scan3A_56, %mul3A_76 : i32
        %swap3A_78 = arith.constant 1 : i32
        %swap3A_79 = arith.index_cast %swap3A_78 : i32 to index
        %swap3A_80 = arith.index_cast %mul3A_77 : i32 to index
        %swap3A_81 = tpu.vector_load %arg5[%swap3A_79, %swap3A_80] {strides = array<i32>} : memref<16x512xf32, #tpu.memory_space<vmem>>, vector<16xf32>,
        tpu.vector_store %arg5[%swap3A_79, %swap3A_80], %div3A_75 {strides = array<i32>} : memref<16x512xf32, #tpu.memory_space<vmem>>, vector<16xf32>,
        %broadcast_in_dim3A_82 = arith.constant 2 : i32
        %broadcast_in_dim3A_83 = vector.broadcast %broadcast_in_dim3A_82 : i32 to vector<16xi32>
        %gather3A_84 = tpu.vector_load_idx %arg4[%add3A_60, %broadcast_in_dim3A_83] : memref<512x16xf32, #tpu.memory_space<vmem>>[vector<16xi32>, vector<16xi32>], vector<16xf32>,
        %div3A_85 = arith.constant 1.000000e+00 : f32
        %div3A_86 = vector.broadcast %div3A_85 : f32 to vector<16xf32>
        %div3A_87 = arith.divf %div3A_86, %gather3A_84 : vector<16xf32>
        %mul3A_88 = arith.constant 16 : i32
        %mul3A_89 = arith.muli %scan3A_56, %mul3A_88 : i32
        %swap3A_90 = arith.constant 2 : i32
        %swap3A_91 = arith.index_cast %swap3A_90 : i32 to index
        %swap3A_92 = arith.index_cast %mul3A_89 : i32 to index
        %swap3A_93 = tpu.vector_load %arg5[%swap3A_91, %swap3A_92] {strides = array<i32>} : memref<16x512xf32, #tpu.memory_space<vmem>>, vector<16xf32>,
        tpu.vector_store %arg5[%swap3A_91, %swap3A_92], %div3A_87 {strides = array<i32>} : memref<16x512xf32, #tpu.memory_space<vmem>>, vector<16xf32>,
        %broadcast_in_dim3A_94 = arith.constant 3 : i32
        %broadcast_in_dim3A_95 = vector.broadcast %broadcast_in_dim3A_94 : i32 to vector<16xi32>
        %gather3A_96 = tpu.vector_load_idx %arg4[%add3A_60, %broadcast_in_dim3A_95] : memref<512x16xf32, #tpu.memory_space<vmem>>[vector<16xi32>, vector<16xi32>], vector<16xf32>,
        %div3A_97 = arith.constant 1.000000e+00 : f32
        %div3A_98 = vector.broadcast %div3A_97 : f32 to vector<16xf32>
        %div3A_99 = arith.divf %div3A_98, %gather3A_96 : vector<16xf32>
        %mul3A_100 = arith.constant 16 : i32
        %mul3A_101 = arith.muli %scan3A_56, %mul3A_100 : i32
        %swap3A_102 = arith.constant 3 : i32
        %swap3A_103 = arith.index_cast %swap3A_102 : i32 to index
        %swap3A_104 = arith.index_cast %mul3A_101 : i32 to index
        %swap3A_105 = tpu.vector_load %arg5[%swap3A_103, %swap3A_104] {strides = array<i32>} : memref<16x512xf32, #tpu.memory_space<vmem>>, vector<16xf32>,
        tpu.vector_store %arg5[%swap3A_103, %swap3A_104], %div3A_99 {strides = array<i32>} : memref<16x512xf32, #tpu.memory_space<vmem>>, vector<16xf32>,
        %broadcast_in_dim3A_106 = arith.constant 4 : i32
        %broadcast_in_dim3A_107 = vector.broadcast %broadcast_in_dim3A_106 : i32 to vector<16xi32>
        %gather3A_108 = tpu.vector_load_idx %arg4[%add3A_60, %broadcast_in_dim3A_107] : memref<512x16xf32, #tpu.memory_space<vmem>>[vector<16xi32>, vector<16xi32>], vector<16xf32>,
        %div3A_109 = arith.constant 1.000000e+00 : f32
        %div3A_110 = vector.broadcast %div3A_109 : f32 to vector<16xf32>
        %div3A_111 = arith.divf %div3A_110, %gather3A_108 : vector<16xf32>
        %mul3A_112 = arith.constant 16 : i32
        %mul3A_113 = arith.muli %scan3A_56, %mul3A_112 : i32
        %swap3A_114 = arith.constant 4 : i32
        %swap3A_115 = arith.index_cast %swap3A_114 : i32 to index
        %swap3A_116 = arith.index_cast %mul3A_113 : i32 to index
        %swap3A_117 = tpu.vector_load %arg5[%swap3A_115, %swap3A_116] {strides = array<i32>} : memref<16x512xf32, #tpu.memory_space<vmem>>, vector<16xf32>,
        tpu.vector_store %arg5[%swap3A_115, %swap3A_116], %div3A_111 {strides = array<i32>} : memref<16x512xf32, #tpu.memory_space<vmem>>, vector<16xf32>,
        %broadcast_in_dim3A_118 = arith.constant 5 : i32
        %broadcast_in_dim3A_119 = vector.broadcast %broadcast_in_dim3A_118 : i32 to vector<16xi32>
        %gather3A_120 = tpu.vector_load_idx %arg4[%add3A_60, %broadcast_in_dim3A_119] : memref<512x16xf32, #tpu.memory_space<vmem>>[vector<16xi32>, vector<16xi32>], vector<16xf32>,
        %div3A_121 = arith.constant 1.000000e+00 : f32
        %div3A_122 = vector.broadcast %div3A_121 : f32 to vector<16xf32>
        %div3A_123 = arith.divf %div3A_122, %gather3A_120 : vector<16xf32>
        %mul3A_124 = arith.constant 16 : i32
        %mul3A_125 = arith.muli %scan3A_56, %mul3A_124 : i32
        %swap3A_126 = arith.constant 5 : i32
        %swap3A_127 = arith.index_cast %swap3A_126 : i32 to index
        %swap3A_128 = arith.index_cast %mul3A_125 : i32 to index
        %swap3A_129 = tpu.vector_load %arg5[%swap3A_127, %swap3A_128] {strides = array<i32>} : memref<16x512xf32, #tpu.memory_space<vmem>>, vector<16xf32>,
        tpu.vector_store %arg5[%swap3A_127, %swap3A_128], %div3A_123 {strides = array<i32>} : memref<16x512xf32, #tpu.memory_space<vmem>>, vector<16xf32>,
        %broadcast_in_dim3A_130 = arith.constant 6 : i32
        %broadcast_in_dim3A_131 = vector.broadcast %broadcast_in_dim3A_130 : i32 to vector<16xi32>
        %gather3A_132 = tpu.vector_load_idx %arg4[%add3A_60, %broadcast_in_dim3A_131] : memref<512x16xf32, #tpu.memory_space<vmem>>[vector<16xi32>, vector<16xi32>], vector<16xf32>,
        %div3A_133 = arith.constant 1.000000e+00 : f32
        %div3A_134 = vector.broadcast %div3A_133 : f32 to vector<16xf32>
        %div3A_135 = arith.divf %div3A_134, %gather3A_132 : vector<16xf32>
        %mul3A_136 = arith.constant 16 : i32
        %mul3A_137 = arith.muli %scan3A_56, %mul3A_136 : i32
        %swap3A_138 = arith.constant 6 : i32
        %swap3A_139 = arith.index_cast %swap3A_138 : i32 to index
        %swap3A_140 = arith.index_cast %mul3A_137 : i32 to index
        %swap3A_141 = tpu.vector_load %arg5[%swap3A_139, %swap3A_140] {strides = array<i32>} : memref<16x512xf32, #tpu.memory_space<vmem>>, vector<16xf32>,
        tpu.vector_store %arg5[%swap3A_139, %swap3A_140], %div3A_135 {strides = array<i32>} : memref<16x512xf32, #tpu.memory_space<vmem>>, vector<16xf32>,
        %broadcast_in_dim3A_142 = arith.constant 7 : i32
        %broadcast_in_dim3A_143 = vector.broadcast %broadcast_in_dim3A_142 : i32 to vector<16xi32>
        %gather3A_144 = tpu.vector_load_idx %arg4[%add3A_60, %broadcast_in_dim3A_143] : memref<512x16xf32, #tpu.memory_space<vmem>>[vector<16xi32>, vector<16xi32>], vector<16xf32>,
        %div3A_145 = arith.constant 1.000000e+00 : f32
        %div3A_146 = vector.broadcast %div3A_145 : f32 to vector<16xf32>
        %div3A_147 = arith.divf %div3A_146, %gather3A_144 : vector<16xf32>
        %mul3A_148 = arith.constant 16 : i32
        %mul3A_149 = arith.muli %scan3A_56, %mul3A_148 : i32
        %swap3A_150 = arith.constant 7 : i32
        %swap3A_151 = arith.index_cast %swap3A_150 : i32 to index
        %swap3A_152 = arith.index_cast %mul3A_149 : i32 to index
        %swap3A_153 = tpu.vector_load %arg5[%swap3A_151, %swap3A_152] {strides = array<i32>} : memref<16x512xf32, #tpu.memory_space<vmem>>, vector<16xf32>,
        tpu.vector_store %arg5[%swap3A_151, %swap3A_152], %div3A_147 {strides = array<i32>} : memref<16x512xf32, #tpu.memory_space<vmem>>, vector<16xf32>,
        %broadcast_in_dim3A_154 = arith.constant 8 : i32
        %broadcast_in_dim3A_155 = vector.broadcast %broadcast_in_dim3A_154 : i32 to vector<16xi32>
        %gather3A_156 = tpu.vector_load_idx %arg4[%add3A_60, %broadcast_in_dim3A_155] : memref<512x16xf32, #tpu.memory_space<vmem>>[vector<16xi32>, vector<16xi32>], vector<16xf32>,
        %div3A_157 = arith.constant 1.000000e+00 : f32
        %div3A_158 = vector.broadcast %div3A_157 : f32 to vector<16xf32>
        %div3A_159 = arith.divf %div3A_158, %gather3A_156 : vector<16xf32>
        %mul3A_160 = arith.constant 16 : i32
        %mul3A_161 = arith.muli %scan3A_56, %mul3A_160 : i32
        %swap3A_162 = arith.constant 8 : i32
        %swap3A_163 = arith.index_cast %swap3A_162 : i32 to index
        %swap3A_164 = arith.index_cast %mul3A_161 : i32 to index
        %swap3A_165 = tpu.vector_load %arg5[%swap3A_163, %swap3A_164] {strides = array<i32>} : memref<16x512xf32, #tpu.memory_space<vmem>>, vector<16xf32>,
        tpu.vector_store %arg5[%swap3A_163, %swap3A_164], %div3A_159 {strides = array<i32>} : memref<16x512xf32, #tpu.memory_space<vmem>>, vector<16xf32>,
        %broadcast_in_dim3A_166 = arith.constant 9 : i32
        %broadcast_in_dim3A_167 = vector.broadcast %broadcast_in_dim3A_166 : i32 to vector<16xi32>
        %gather3A_168 = tpu.vector_load_idx %arg4[%add3A_60, %broadcast_in_dim3A_167] : memref<512x16xf32, #tpu.memory_space<vmem>>[vector<16xi32>, vector<16xi32>], vector<16xf32>,
        %div3A_169 = arith.constant 1.000000e+00 : f32
        %div3A_170 = vector.broadcast %div3A_169 : f32 to vector<16xf32>
        %div3A_171 = arith.divf %div3A_170, %gather3A_168 : vector<16xf32>
        %mul3A_172 = arith.constant 16 : i32
        %mul3A_173 = arith.muli %scan3A_56, %mul3A_172 : i32
        %swap3A_174 = arith.constant 9 : i32
        %swap3A_175 = arith.index_cast %swap3A_174 : i32 to index
        %swap3A_176 = arith.index_cast %mul3A_173 : i32 to index
        %swap3A_177 = tpu.vector_load %arg5[%swap3A_175, %swap3A_176] {strides = array<i32>} : memref<16x512xf32, #tpu.memory_space<vmem>>, vector<16xf32>,
        tpu.vector_store %arg5[%swap3A_175, %swap3A_176], %div3A_171 {strides = array<i32>} : memref<16x512xf32, #tpu.memory_space<vmem>>, vector<16xf32>,
        %broadcast_in_dim3A_178 = arith.constant 10 : i32
        %broadcast_in_dim3A_179 = vector.broadcast %broadcast_in_dim3A_178 : i32 to vector<16xi32>
        %gather3A_180 = tpu.vector_load_idx %arg4[%add3A_60, %broadcast_in_dim3A_179] : memref<512x16xf32, #tpu.memory_space<vmem>>[vector<16xi32>, vector<16xi32>], vector<16xf32>,
        %div3A_181 = arith.constant 1.000000e+00 : f32
        %div3A_182 = vector.broadcast %div3A_181 : f32 to vector<16xf32>
        %div3A_183 = arith.divf %div3A_182, %gather3A_180 : vector<16xf32>
        %mul3A_184 = arith.constant 16 : i32
        %mul3A_185 = arith.muli %scan3A_56, %mul3A_184 : i32
        %swap3A_186 = arith.constant 10 : i32
        %swap3A_187 = arith.index_cast %swap3A_186 : i32 to index
        %swap3A_188 = arith.index_cast %mul3A_185 : i32 to index
        %swap3A_189 = tpu.vector_load %arg5[%swap3A_187, %swap3A_188] {strides = array<i32>} : memref<16x512xf32, #tpu.memory_space<vmem>>, vector<16xf32>,
        tpu.vector_store %arg5[%swap3A_187, %swap3A_188], %div3A_183 {strides = array<i32>} : memref<16x512xf32, #tpu.memory_space<vmem>>, vector<16xf32>,
        %broadcast_in_dim3A_190 = arith.constant 11 : i32
        %broadcast_in_dim3A_191 = vector.broadcast %broadcast_in_dim3A_190 : i32 to vector<16xi32>
        %gather3A_192 = tpu.vector_load_idx %arg4[%add3A_60, %broadcast_in_dim3A_191] : memref<512x16xf32, #tpu.memory_space<vmem>>[vector<16xi32>, vector<16xi32>], vector<16xf32>,
        %div3A_193 = arith.constant 1.000000e+00 : f32
        %div3A_194 = vector.broadcast %div3A_193 : f32 to vector<16xf32>
        %div3A_195 = arith.divf %div3A_194, %gather3A_192 : vector<16xf32>
        %mul3A_196 = arith.constant 16 : i32
        %mul3A_197 = arith.muli %scan3A_56, %mul3A_196 : i32
        %swap3A_198 = arith.constant 11 : i32
        %swap3A_199 = arith.index_cast %swap3A_198 : i32 to index
        %swap3A_200 = arith.index_cast %mul3A_197 : i32 to index
        %swap3A_201 = tpu.vector_load %arg5[%swap3A_199, %swap3A_200] {strides = array<i32>} : memref<16x512xf32, #tpu.memory_space<vmem>>, vector<16xf32>,
        tpu.vector_store %arg5[%swap3A_199, %swap3A_200], %div3A_195 {strides = array<i32>} : memref<16x512xf32, #tpu.memory_space<vmem>>, vector<16xf32>,
        %broadcast_in_dim3A_202 = arith.constant 12 : i32
        %broadcast_in_dim3A_203 = vector.broadcast %broadcast_in_dim3A_202 : i32 to vector<16xi32>
        %gather3A_204 = tpu.vector_load_idx %arg4[%add3A_60, %broadcast_in_dim3A_203] : memref<512x16xf32, #tpu.memory_space<vmem>>[vector<16xi32>, vector<16xi32>], vector<16xf32>,
        %div3A_205 = arith.constant 1.000000e+00 : f32
        %div3A_206 = vector.broadcast %div3A_205 : f32 to vector<16xf32>
        %div3A_207 = arith.divf %div3A_206, %gather3A_204 : vector<16xf32>
        %mul3A_208 = arith.constant 16 : i32
        %mul3A_209 = arith.muli %scan3A_56, %mul3A_208 : i32
        %swap3A_210 = arith.constant 12 : i32
        %swap3A_211 = arith.index_cast %swap3A_210 : i32 to index
        %swap3A_212 = arith.index_cast %mul3A_209 : i32 to index
        %swap3A_213 = tpu.vector_load %arg5[%swap3A_211, %swap3A_212] {strides = array<i32>} : memref<16x512xf32, #tpu.memory_space<vmem>>, vector<16xf32>,
        tpu.vector_store %arg5[%swap3A_211, %swap3A_212], %div3A_207 {strides = array<i32>} : memref<16x512xf32, #tpu.memory_space<vmem>>, vector<16xf32>,
        %broadcast_in_dim3A_214 = arith.constant 13 : i32
        %broadcast_in_dim3A_215 = vector.broadcast %broadcast_in_dim3A_214 : i32 to vector<16xi32>
        %gather3A_216 = tpu.vector_load_idx %arg4[%add3A_60, %broadcast_in_dim3A_215] : memref<512x16xf32, #tpu.memory_space<vmem>>[vector<16xi32>, vector<16xi32>], vector<16xf32>,
        %div3A_217 = arith.constant 1.000000e+00 : f32
        %div3A_218 = vector.broadcast %div3A_217 : f32 to vector<16xf32>
        %div3A_219 = arith.divf %div3A_218, %gather3A_216 : vector<16xf32>
        %mul3A_220 = arith.constant 16 : i32
        %mul3A_221 = arith.muli %scan3A_56, %mul3A_220 : i32
        %swap3A_222 = arith.constant 13 : i32
        %swap3A_223 = arith.index_cast %swap3A_222 : i32 to index
        %swap3A_224 = arith.index_cast %mul3A_221 : i32 to index
        %swap3A_225 = tpu.vector_load %arg5[%swap3A_223, %swap3A_224] {strides = array<i32>} : memref<16x512xf32, #tpu.memory_space<vmem>>, vector<16xf32>,
        tpu.vector_store %arg5[%swap3A_223, %swap3A_224], %div3A_219 {strides = array<i32>} : memref<16x512xf32, #tpu.memory_space<vmem>>, vector<16xf32>,
        %broadcast_in_dim3A_226 = arith.constant 14 : i32
        %broadcast_in_dim3A_227 = vector.broadcast %broadcast_in_dim3A_226 : i32 to vector<16xi32>
        %gather3A_228 = tpu.vector_load_idx %arg4[%add3A_60, %broadcast_in_dim3A_227] : memref<512x16xf32, #tpu.memory_space<vmem>>[vector<16xi32>, vector<16xi32>], vector<16xf32>,
        %div3A_229 = arith.constant 1.000000e+00 : f32
        %div3A_230 = vector.broadcast %div3A_229 : f32 to vector<16xf32>
        %div3A_231 = arith.divf %div3A_230, %gather3A_228 : vector<16xf32>
        %mul3A_232 = arith.constant 16 : i32
        %mul3A_233 = arith.muli %scan3A_56, %mul3A_232 : i32
        %swap3A_234 = arith.constant 14 : i32
        %swap3A_235 = arith.index_cast %swap3A_234 : i32 to index
        %swap3A_236 = arith.index_cast %mul3A_233 : i32 to index
        %swap3A_237 = tpu.vector_load %arg5[%swap3A_235, %swap3A_236] {strides = array<i32>} : memref<16x512xf32, #tpu.memory_space<vmem>>, vector<16xf32>,
        tpu.vector_store %arg5[%swap3A_235, %swap3A_236], %div3A_231 {strides = array<i32>} : memref<16x512xf32, #tpu.memory_space<vmem>>, vector<16xf32>,
        %broadcast_in_dim3A_238 = arith.constant 15 : i32
        %broadcast_in_dim3A_239 = vector.broadcast %broadcast_in_dim3A_238 : i32 to vector<16xi32>
        %gather3A_240 = tpu.vector_load_idx %arg4[%add3A_60, %broadcast_in_dim3A_239] : memref<512x16xf32, #tpu.memory_space<vmem>>[vector<16xi32>, vector<16xi32>], vector<16xf32>,
        %div3A_241 = arith.constant 1.000000e+00 : f32
        %div3A_242 = vector.broadcast %div3A_241 : f32 to vector<16xf32>
        %div3A_243 = arith.divf %div3A_242, %gather3A_240 : vector<16xf32>
        %mul3A_244 = arith.constant 16 : i32
        %mul3A_245 = arith.muli %scan3A_56, %mul3A_244 : i32
        %swap3A_246 = arith.constant 15 : i32
        %swap3A_247 = arith.index_cast %swap3A_246 : i32 to index
        %swap3A_248 = arith.index_cast %mul3A_245 : i32 to index
        %swap3A_249 = tpu.vector_load %arg5[%swap3A_247, %swap3A_248] {strides = array<i32>} : memref<16x512xf32, #tpu.memory_space<vmem>>, vector<16xf32>,
        tpu.vector_store %arg5[%swap3A_247, %swap3A_248], %div3A_243 {strides = array<i32>} : memref<16x512xf32, #tpu.memory_space<vmem>>, vector<16xf32>,
      }
      %scan3A_53 = arith.constant 32 : i32
      %mul3A_54 = arith.constant 512 : i32
      %mul3A_55 = arith.muli %select_n3A_33, %mul3A_54 : i32
      "tpu.region"() ({
        %run_scoped3A = tpu.sem_alloc : memref<!tpu.dma_semaphore, #tpu.memory_space<semaphore_mem>>
        %dma_start3A = arith.constant 0 : i32
        %dma_start3A_56 = tpu.memref_slice %arg3[%select_n3A, %dma_start3A, %mul3A_55] : memref<2x16x5120xf32, #tpu.memory_space<hbm>> -> memref<1x16x512xf32, #tpu.memory_space<hbm>>
        %dma_start3A_57 = tpu.memref_squeeze %dma_start3A_56 : memref<1x16x512xf32, #tpu.memory_space<hbm>> -> memref<16x512xf32, #tpu.memory_space<hbm>>
        %dma_start3A_58 = arith.constant 0 : i32
        %dma_start3A_59 = tpu.memref_slice %arg3[%select_n3A, %dma_start3A_58, %mul3A_55] : memref<2x16x5120xf32, #tpu.memory_space<hbm>> -> memref<1x16x512xf32, #tpu.memory_space<hbm>>
        %dma_start3A_60 = tpu.memref_squeeze %dma_start3A_59 : memref<1x16x512xf32, #tpu.memory_space<hbm>> -> memref<16x512xf32, #tpu.memory_space<hbm>>
        tpu.enqueue_dma source(%arg5 : memref<16x512xf32, #tpu.memory_space<vmem>>) target(%dma_start3A_60 : memref<16x512xf32, #tpu.memory_space<hbm>>) target_semaphore(%run_scoped3A : memref<!tpu.dma_semaphore, #tpu.memory_space<semaphore_mem>>)
        %dma_wait3A = arith.constant 0 : i32
        %dma_wait3A_61 = tpu.memref_slice %arg3[%select_n3A, %dma_wait3A, %mul3A_55] : memref<2x16x5120xf32, #tpu.memory_space<hbm>> -> memref<1x16x512xf32, #tpu.memory_space<hbm>>
        %dma_wait3A_62 = tpu.memref_squeeze %dma_wait3A_61 : memref<1x16x512xf32, #tpu.memory_space<hbm>> -> memref<16x512xf32, #tpu.memory_space<hbm>>
        %dma_wait3A_63 = arith.constant 0 : i32
        %dma_wait3A_64 = tpu.memref_slice %arg3[%select_n3A, %dma_wait3A_63, %mul3A_55] : memref<2x16x5120xf32, #tpu.memory_space<hbm>> -> memref<1x16x512xf32, #tpu.memory_space<hbm>>
        %dma_wait3A_65 = tpu.memref_squeeze %dma_wait3A_64 : memref<1x16x512xf32, #tpu.memory_space<hbm>> -> memref<16x512xf32, #tpu.memory_space<hbm>>
        tpu.wait_dma2 semaphore(%run_scoped3A : memref<!tpu.dma_semaphore, #tpu.memory_space<semaphore_mem>>) src(%arg5 : memref<16x512xf32, #tpu.memory_space<vmem>>) dst(%dma_wait3A_65 : memref<16x512xf32, #tpu.memory_space<hbm>>)
        tpu.yield
      }) : () -> ()
    } else {
    }
    return
  }
}

module attributes {stable_mosaic.version = 14 : i64} {
  func.func @_rgcn_block_kernel(%arg0: i32, %arg1: memref<5000x128xf32, #tpu.memory_space<vmem>>, %arg2: memref<1x16x5120xf32, #tpu.memory_space<vmem>>, %arg3: memref<16x128x128xf32, #tpu.memory_space<vmem>>, %arg4: memref<5000x128xf32, #tpu.memory_space<vmem>>) attributes {dimension_semantics = [#tpu.dimension_semantics<arbitrary>], iteration_bounds = array<i64: 2>, scalar_prefetch = 0 : i64, scratch_operands = 0 : i64, tpu.core_type = #tpu.core_type<tc>, window_params = [{transform_indices = @transform_0, window_bounds = array<i64: 5000, 128>}, {transform_indices = @transform_1, window_bounds = array<i64: 1, 16, 5120>}, {pipeline_mode = #tpu.pipeline_mode<synchronous>, transform_indices = @transform_2, window_bounds = array<i64: 16, 128, 128>}, {transform_indices = @transform_3, window_bounds = array<i64: 5000, 128>}]} {
    %get3A = arith.constant 0 : index
    %get3A_0 = arith.constant 0 : index
    %get3A_1 = arith.constant 0 : index
    %get3A_2 = vector.load %arg3[%get3A, %get3A_0, %get3A_1] : memref<16x128x128xf32, #tpu.memory_space<vmem>>, vector<16x128x128xf32>
    %reduce_sum3A = arith.constant dense<0.000000e+00> : vector<16x128xf32>
    %reduce_sum3A_3 = vector.multi_reduction <add>, %get3A_2, %reduce_sum3A [1] : vector<16x128x128xf32> to vector<16x128xf32>
    %get3A_4 = arith.constant 0 : index
    %get3A_5 = arith.constant 0 : index
    %get3A_6 = arith.constant 0 : index
    %get3A_7 = vector.load %arg2[%get3A_4, %get3A_5, %get3A_6] : memref<1x16x5120xf32, #tpu.memory_space<vmem>>, vector<1x16x5120xf32>
    %get3A_8 = vector.shape_cast %get3A_7 : vector<1x16x5120xf32> to vector<16x5120xf32>
    %slice3A = vector.extract_strided_slice %get3A_8 {offsets = [0, 0], sizes = [16, 5000], strides = [1, 1]} : vector<16x5120xf32> to vector<16x5000xf32>
    %dot_general3A = arith.constant dense<0.000000e+00> : vector<5000x128xf32>
    %dot_general3A_9 = tpu.matmul %slice3A, %reduce_sum3A_3, %dot_general3A {dimension_numbers = #tpu.dot_dimension_numbers<[0], [0], [1], [1], [0, 1, 1, 1], [], []>, transpose_lhs_hint = false} : vector<16x5000xf32>, vector<16x128xf32>, vector<5000x128xf32> -> vector<5000x128xf32>
    %get3A_10 = arith.constant 0 : index
    %get3A_11 = arith.constant 0 : index
    %get3A_12 = vector.load %arg1[%get3A_10, %get3A_11] : memref<5000x128xf32, #tpu.memory_space<vmem>>, vector<5000x128xf32>
    %reduce_sum3A_13 = arith.constant dense<0.000000e+00> : vector<5000xf32>
    %reduce_sum3A_14 = vector.multi_reduction <add>, %get3A_12, %reduce_sum3A_13 [1] : vector<5000x128xf32> to vector<5000xf32>
    %broadcast_in_dim3A = vector.shape_cast %reduce_sum3A_14 : vector<5000xf32> to vector<5000x1xf32>
    %mul3A = vector.broadcast %broadcast_in_dim3A : vector<5000x1xf32> to vector<5000x128xf32>
    %mul3A_15 = arith.mulf %mul3A, %dot_general3A_9 : vector<5000x128xf32>
    %swap3A = arith.constant 0 : index
    %swap3A_16 = arith.constant 0 : index
    %swap3A_17 = vector.load %arg4[%swap3A, %swap3A_16] : memref<5000x128xf32, #tpu.memory_space<vmem>>, vector<5000x128xf32>
    tpu.vector_store %arg4[%swap3A, %swap3A_16], %mul3A_15 {strides = array<i32>} : memref<5000x128xf32, #tpu.memory_space<vmem>>, vector<5000x128xf32>,
    return
  }
  func.func @transform_0(%arg0: i32) -> (i32, i32) {
    %c0_i32 = arith.constant 0 : i32
    %c0_i32_0 = arith.constant 0 : i32
    return %arg0, %c0_i32 : i32, i32
  }
  func.func @transform_1(%arg0: i32) -> (i32, i32, i32) {
    %c0_i32 = arith.constant 0 : i32
    %c0_i32_0 = arith.constant 0 : i32
    %c0_i32_1 = arith.constant 0 : i32
    return %arg0, %c0_i32, %c0_i32_0 : i32, i32, i32
  }
  func.func @transform_2(%arg0: i32) -> (i32, i32, i32) {
    %c0_i32 = arith.constant 0 : i32
    %c0_i32_0 = arith.constant 0 : i32
    %c0_i32_1 = arith.constant 0 : i32
    %c0_i32_2 = arith.constant 0 : i32
    return %c0_i32, %c0_i32_0, %c0_i32_1 : i32, i32, i32
  }
  func.func @transform_3(%arg0: i32) -> (i32, i32) {
    %c0_i32 = arith.constant 0 : i32
    %c0_i32_0 = arith.constant 0 : i32
    return %arg0, %c0_i32 : i32, i32
  }
}

</mosaic_0001>

<sc_bundles>
// kernel: kernel.4.cloned.1.call-start
scs
__scs_entry_jumppad:
0x0: {  	(pc) =	sbr.rel $0x88, $3  }
0x1: {  	(tag) =	ssettag $0x0;
	lr =	simm.s32 $0x1  }
0x2: {  	[smem:$0x3F9E] =	sst lr;
	_ =	strace $0xD0000000  }
0x3: {  	_ = 	snop  }
0x4: {  	_ = 	snop  }
0x5: {  	_ = 	snop  }
0x6: {  	_ = 	snop  }
0x7: {  	_ = 	snop  }
__scs_overlays_trampoline_lowered:
0x8: {  	[smem:$0x3FAD] =	sst s0  }
0x9: {  	[smem:$0x3FAE] =	sst s1  }
0xa: {  	[smem:$0x3FAF] =	sst s2  }
0xb: {  	[smem:$0x3FB0] =	sst s3  }
0xc: {  	[smem:$0x3FB1] =	sst s4  }
0xd: {  	[smem:$0x3FB2] =	sst s5  }
0xe: {  	[smem:$0x3FB3] =	sst s6  }
0xf: {  	[smem:$0x3FB4] =	sst s7  }
0x10: {  	[smem:$0x3FB5] =	sst s8  }
0x11: {  	[smem:$0x3FB6] =	sst s9;
	s0 =	simm.s32 @!p0 $0x0  }
0x12: {  	s1 =	sld [smem:$0x3F9C];
	s0 =	simm.s32 @p0 $0x1  }
0x13: {  	[smem:$0x3FB7] =	sst s0;
	s0 =	simm.s32 @!p1 $0x0  }
0x14: {  	s2 =	sld [smem:$0x3F9B];
	s0 =	simm.s32 @p1 $0x1  }
0x15: {  	[smem:$0x3FB8] =	sst s0;
	s0 =	simm.s32 @!p2 $0x0  }
0x16: {  	s3 =	sld [smem:$0x3FDB];
	s0 =	simm.s32 @p2 $0x1  }
0x17: {  	s4 =	simm.s32 $0x1BF5;
	[smem:$0x3FBA] =	sst s0  }
0x18: {  	s0 =	sld [smem:$0x3F9D];
	_ =	swait.ge [sflag:s4], $0x0  }
0x19: {  	s7 =	sld [smem:$0x3F9E]  }
0x1a: {  	s8 =	sadd.s32 $0xFFFFE003, lr  }
0x1b: {  	s9 =	sadd.s32 $0xFFFFFEF7, lr;
	s5 =	simm.s32 $0xFFFFFFFF;
	p2 =	slt.u32 s8, $0xFFFFF086  }
0x1c: {  	p1 =	slt.u32 s9, $0xF7A;
	s5 =	simm.s32 @!p2 $0x0  }
0x1d: {  	s5 =	simm.s32 @p1 $0x1;
	p0 =	seq.s32 s7, s2  }
0x1e: {  	s7 =	smul.u32 @!p0 $0xF7A, s2;
	p2 =	seq.s32 @!p0 s5, $0x0  }
0x1f: {  	s9 =	smul.u32 $0xF7A, s1;
	s8 =	simm.s32 @!p0 $0x1BF5;
	p2 =	por !p2, p0  }
0x20: {  	[sflag:s8] =	ssyncset.s32 @!p0 $0xFFFFF086;
	s6 =	sadd.s32 @!p0 s3, s7;
	s7 =	simm.s32 @!p0 $0x108  }
0x21: {  	s3 =	sadd.s32 s3, s9;
	s6 =	sadd.s32 @!p0 $0x88, s6;
	s7 =	simm.s32 @p2 $0x1082  }
0x22: {  	[simem:s7], [sflag:s8] =	dma.local @!p0 [hbm:s6], $0xF7A  }
0x23: {  	s9 =	sor.u32 $0xD0000000, s2;
	s6 =	simm.s32 $0x108;
	_ =	swait.ge @!p0 [sflag:s8], $0x0  }
0x24: {  	s3 =	sadd.s32 $0x88, s3;
	s6 =	simm.s32 @!p1 $0x1082;
	[sflag:s4] =	ssyncset.s32 $0xFFFFF086  }
0x25: {  	[simem:s6], [sflag:s4] =	dma.local [hbm:s3], $0xF7A  }
0x26: {  	[smem:$0x3F9E] =	sst s1;
	(tag) =	ssettag s2;
	_ =	strace s9  }
0x27: {  	s1 =	sld [smem:$0x3FAE]  }
0x28: {  	s2 =	sld [smem:$0x3FAF]  }
0x29: {  	s4 =	sld [smem:$0x3FB1]  }
0x2a: {  	p0 =	seq.s32 s5, $0x0;
	s5 =	sld [smem:$0x3FB2]  }
0x2b: {  	s6 =	sld [smem:$0x3FB3]  }
0x2c: {  	s7 =	sld [smem:$0x3FB4]  }
0x2d: {  	s3 =	simm.s32 $0x108;
	s8 =	sld [smem:$0x3FB5]  }
0x2e: {  	s3 =	simm.s32 @!p0 $0x1082;
	s9 =	sld [smem:$0x3FB6]  }
0x2f: {  	lr =	sadd.s32 s0, s3;
	s0 =	sld [smem:$0x3FAD]  }
0x30: {  	s3 =	sld [smem:$0x3FB0]  }
0x31: {  	[smem:$0x3FB9] =	sst s10  }
0x32: {  	s10 =	sld [smem:$0x3FB7];
	_ =	sdelay $0x3  }
0x33: {  	p0 =	seq.s32 s10, $0x1;
	s10 =	sld [smem:$0x3FB9];
	_ =	sdelay $0x3  }
0x34: {  	[smem:$0x3FB9] =	sst s10  }
0x35: {  	s10 =	sld [smem:$0x3FB8];
	_ =	sdelay $0x3  }
0x36: {  	p1 =	seq.s32 s10, $0x1;
	s10 =	sld [smem:$0x3FB9];
	_ =	sdelay $0x3  }
0x37: {  	[smem:$0x3FB9] =	sst s10  }
0x38: {  	s10 =	sld [smem:$0x3FBA]  }
0x39: {  	_ = 	snop;
	(pc) =	sbr.ind lr, $3  }
0x3a: {  	_ = 	snop  }
0x3b: {  	_ = 	snop  }
0x3c: {  	p2 =	seq.s32 s10, $0x1;
	s10 =	sld [smem:$0x3FB9]  }
0x3d: {  	_ =	shalt  }
0x3e: {  	_ =	shalt  }
0x3f: {  	_ =	shalt  }
0x40: {  	_ =	shalt  }
0x41: {  	_ =	shalt  }
0x42: {  	_ =	shalt  }
0x43: {  	_ =	shalt  }
0x44: {  	_ =	shalt  }
0x45: {  	_ =	shalt  }
0x46: {  	_ =	shalt  }
0x47: {  	_ =	shalt  }
0x48: {  	_ =	shalt  }
0x49: {  	_ =	shalt  }
0x4a: {  	_ =	shalt  }
0x4b: {  	_ =	shalt  }
0x4c: {  	_ =	shalt  }
0x4d: {  	_ =	shalt  }
0x4e: {  	_ =	shalt  }
0x4f: {  	_ =	shalt  }
0x50: {  	_ =	shalt  }
0x51: {  	_ =	shalt  }
0x52: {  	_ =	shalt  }
0x53: {  	_ =	shalt  }
0x54: {  	_ =	shalt  }
0x55: {  	_ =	shalt  }
0x56: {  	_ =	shalt  }
0x57: {  	_ =	shalt  }
0x58: {  	_ =	shalt  }
0x59: {  	_ =	shalt  }
0x5a: {  	_ =	shalt  }
0x5b: {  	_ =	shalt  }
0x5c: {  	_ =	shalt  }
0x5d: {  	_ =	shalt  }
0x5e: {  	_ =	shalt  }
0x5f: {  	_ =	shalt  }
0x60: {  	_ =	shalt  }
0x61: {  	_ =	shalt  }
0x62: {  	_ =	shalt  }
0x63: {  	_ =	shalt  }
0x64: {  	_ =	shalt  }
0x65: {  	_ =	shalt  }
0x66: {  	_ =	shalt  }
0x67: {  	_ =	shalt  }
0x68: {  	_ =	shalt  }
0x69: {  	_ =	shalt  }
0x6a: {  	_ =	shalt  }
0x6b: {  	_ =	shalt  }
0x6c: {  	_ =	shalt  }
0x6d: {  	_ =	shalt  }
0x6e: {  	_ =	shalt  }
0x6f: {  	_ =	shalt  }
0x70: {  	_ =	shalt  }
0x71: {  	_ =	shalt  }
0x72: {  	_ =	shalt  }
0x73: {  	_ =	shalt  }
0x74: {  	_ =	shalt  }
0x75: {  	_ =	shalt  }
0x76: {  	_ =	shalt  }
0x77: {  	_ =	shalt  }
0x78: {  	_ =	shalt  }
0x79: {  	_ =	shalt  }
0x7a: {  	_ =	shalt  }
0x7b: {  	_ =	shalt  }
0x7c: {  	_ =	shalt  }
0x7d: {  	_ =	shalt  }
0x7e: {  	_ =	shalt  }
0x7f: {  	_ =	shalt  }
0x80: {  	_ =	shalt  }
0x81: {  	_ =	shalt  }
0x82: {  	_ =	shalt  }
0x83: {  	_ =	shalt  }
0x84: {  	_ =	shalt  }
0x85: {  	_ =	shalt  }
0x86: {  	_ =	shalt  }
0x87: {  	_ =	shalt  }
.Lfunc_end0:
.L_simem_size_0:
called_computation_lowered:
.L_overlay_start_0:
0x88: {  	s2 =	sld [smem:$0x3FD9]  }
0x89: {  	s3 =	sld [smem:$0x3FFE];
	_ =	sdelay $0x1  }
0x8a: {  	s1 =	srdreg.scid  }
0x8b: {  	s0 =	sand.u32 $0x1, s1  }
0x8c: {  	s17 =	sshll.u32 s0, $0xA;
	s2 =	sadd.s32 s3, s2  }
0x8d: {  	s2 =	sadd.s32 s2, s17  }
0x8e: {  	[smem:$0x3FC5] =	sst s2  }
0x8f: {  	_ = 	snop  }
0x90: {  	s2 =	sld [smem:$0x3FD0];
	(tm) =	ssettm $0x1  }
0x91: {  	s18 =	sld [smem:$0x3FFB];
	_ =	sdelay $0x3  }
0x92: {  	_ =	strace s18  }
0x93: {  	s3 =	sld [smem:$0x3FFC];
	_ =	sdelay $0x3  }
0x94: {  	_ =	strace s3  }
0x95: {  	s3 =	sld [smem:$0x3FFD];
	_ =	sdelay $0x3  }
0x96: {  	_ =	strace s3  }
0x97: {  	_ =	strace $0x8FFFFFFF  }
0x98: {  	s19 =	sld [smem:$0x3FDB];
	_ =	sdelay $0x1  }
0x99: {  	s4 =	simm.s32 $_scs_section_size  }
0x9a: {  	s5 =	simm.s32 $_size__tile_overlayer_lowered;
	s6 =	simm.s32 $_tile_overlayer_lowered  }
0x9b: {  	s22 =	simm.s32 $0x1BFF;
	s21 =	sshll.u32 s6, $0x1;
	s3 =	sadd.s32 s4, s19  }
0x9c: {  	s7 =	simm.s32 $0x0;
	s20 =	sshll.u32 s5, $0x1;
	s5 =	sadd.s32 s21, s3  }
0x9d: {  	[timem:s7], [sflag:s22] =	dma.local [hbm:s5], s20  }
0x9e: {  	_ =	swait.ge [sflag:s22], s20  }
0x9f: {  	s4 =	ssub.s32 $0x0, s20;
	[sflag:s22] =	ssyncset.done $0x0  }
0xa0: {  	[sflag:s22] =	ssyncadd.s32 s4;
	_ =	sdelay $0x1  }
0xa1: {  	s23 =	simm.s32 $0x1B8B  }
0xa2: {  	_ =	swait.ge [sflag:s23], $0x1  }
0xa3: {  	[sflag:s23] =	ssyncset.done $0x0  }
0xa4: {  	s25 =	simm.s32 $0x1B8E;
	s24 =	sld [smem:$0x3FFE];
	[sflag:s23] =	ssyncadd.s32 $0xFFFFFFFF  }
0xa5: {  	s26 =	simm.s32 $execute0_lowered;
	[smem:$0x3FD2] =	sst s25  }
0xa6: {  	s5 =	sshll.u32 s26, $0x1;
	_ =	strace $0x80000046;
	[dreg:$0x1] =	wrdreg $0xFFFFFFFF  }
0xa7: {  	s28 =	simm.s32 $_size_execute0_lowered;
	s3 =	sadd.s32 s3, s5;
	[dreg:$0x0] =	wrdreg $0x0  }
0xa8: {  	s5 =	sshll.u32 s28, $0x1;
	[dreg:$0x2] =	wrdreg s3  }
0xa9: {  	[dreg:$0x3] =	wrdreg s5  }
0xaa: {  	[dreg:$0x4] =	wrdreg $0xC0  }
0xab: {  	_ =	task [dreg:s7], $0x5FFFF  }
0xac: {  	[dreg:$0x1] =	wrdreg $0xFFFFFFFF  }
0xad: {  	[dreg:$0x0] =	wrdreg $0x60  }
0xae: {  	[dreg:$0x2] =	wrdreg s2  }
0xaf: {  	[dreg:$0x3] =	wrdreg s24  }
0xb0: {  	[dreg:$0x4] =	wrdreg $0x9  }
0xb1: {  	_ =	task.clear_ibuf [dreg:s7], $0x5FFFF;
	_ =	strace $0x90000046  }
0xb2: {  	s29 =	simm.s32 $0x9;
	_ =	strace $0x80000048  }
0xb3: {  	_ =	swait.ge [sflag:s29], $0x1  }
0xb4: {  	[sflag:s29] =	ssyncadd.s32 $0xFFFFFFFF  }
0xb5: {  	_ =	strace $0x90000048  }
0xb6: {  	_ =	sfence  }
0xb7: {  	s30 =	sld [smem:$0x0];
	_ =	sdelay $0x2  }
0xb8: {  	s31 =	sshll.u32 s1, $0xD;
	s1 =	sshrl.u32 s1, $0x2  }
0xb9: {  	s3 =	sand.u32 $0x4000, s31;
	s1 =	sadd.s32 s1, s30  }
0xba: {  	s0 =	sor.u32 s3, s0;
	s1 =	sshll.u32 s1, $0x11  }
0xbb: {  	s0 =	sor.u32 s1, s0  }
0xbc: {  	s0 =	sadd.s32 $0x8F2B, s0  }
0xbd: {  	[sflag:s0] =	ssyncadd.remote.s32 $0x1  }
0xbe: {  	_ =	sfence.sel $0xFFFF  }
0xbf: {  	[dreg:$0x0] =	wrdreg $0xFFFFFFFF;
	(pc) =	sbr.abs _section_cstart, $3  }
0xc0: {  	[dreg:$0x1] =	wrdreg $0xFFFFFFFF  }
0xc1: {  	_ =	task.clear_ibuf [dreg:s7], $0x2FFFF;
	_ =	strace $0x9FFFFFFF  }
0xc2: {  	(tm) =	ssettm $0x7FFFFFFF  }
0xc3: {  	_ =	shalt  }
tec
execute0_lowered:
.L_overlay_start_1:
0x0: {  	(tag) =	ssettag $0x1  }
0x1: {  	s1 =	stileid.u32  }
0x2: {  	p0 =	sgt.u32 s1, $0x9  }
.Ltmp0:
0x3: {  	_ = 	snop;
	(pc) =	sbr.rel @p0 .LBB2_5-.Ltmp0, $4  }
0x4: {  	s4 =	rddreg [dreg:$0x0]  }
0x5: {  	s3 =	rddreg [dreg:$0x1];
	s2 =	simm.s32 $0x0  }
0x6: {  	[smem:$0x7FF] =	sst s2  }
0x7: {  	s0 =	rddreg [dreg:$0x2];
	_ =	strace $0x80000047  }
0x8: {  	s5 =	srdreg.scid  }
0x9: {  	s6 =	sshll.u32 s1, $0x1;
	s5 =	sand.u32 $0x1, s5  }
0xa: {  	s6 =	sor.u32 s5, s6  }
0xb: {  	s7 =	smul.u32 $0x1A, s6;
	_ =	sdelay $0x1  }
0xc: {  	s7 =	sshrl.u32 s7, $0x8  }
0xd: {  	s7 =	smul.u32 $0xA, s7  }
0xe: {  	s5 =	ssub.s32 $0x2, s5  }
0xf: {  	p0 =	sgt.u32 s1, $0x4;
	s10 =	sshrl.u32 s5, $0x1;
	s6 =	ssub.s32 s6, s7  }
0x10: {  	s5 =	ssub.s32 s5, s10;
	s7 =	simm.s32 $0x14000;
	s6 =	sand.u32 $0xFF, s6  }
0x11: {  	s10 =	simm.s32 $0x0;
	s7 =	simm.s32 @!p0 $0x4;
	s8 =	sshll.u32 s6, $0xC  }
0x12: {  	s5 =	smax.u32 s5, $0x1;
	s7 =	sadd.s32 s7, s8;
	s8 =	simm.s32 $0x13880  }
0x13: {  	s9 =	sshll.u32 s6, $0xD;
	s7 =	sshrl.u32 s7, $0x3;
	s8 =	simm.s32 @!p0 $0x0  }
0x14: {  	p0 =	sgt.u32 s6, $0x8;
	s6 =	simm.s32 $0x1000;
	s3 =	sadd.s32 s7, s3  }
0x15: {  	v0 =	vlaneseq.u32;
	s31 =	sadd.s32 s8, s9;
	s7 =	simm.s32 $0xA000;
	s8 =	simm.s32 $0x10000  }
0x16: {  	v0 =	vmul.u32 $0x80, v0;
	s9 =	simm.s32 $0x1;
	s3 =	sadd.s32 $0x1000, s3;
	s4 =	sadd.s32 s4, s31  }
.LBB2_2:
0x17: {  	s11 =	simm.s32 @p0 $0x0  }
0x18: {  	[tilespmem:s11], [sflag:$0x1] =	stream.linear.gather @p0 [hbm4b:s4+s11], $0xC400, $0x38;
	[tilespmem:$0x12000] =	vst v63  }
0x19: {  	s11 =	simm.s32 @p0 $0x1  }
0x1a: {  	_ =	swait.ge @p0 [sflag:s11], $0xC400  }
0x1b: {  	[sflag:s11] =	ssyncset.done @p0 $0x0  }
0x1c: {  	[sflag:s11] =	ssyncadd.s32 @p0 $0xFFFF3C00;
	s11 =	simm.s32 @!p0 $0x0  }
0x1d: {  	[tilespmem:s11], [sflag:$0x1] =	stream.linear.gather @!p0 [hbm4b:s4+s11], $0x10000, $0x38;
	[tilespmem:$0x12000] =	vst v63  }
0x1e: {  	s11 =	simm.s32 @!p0 $0x1  }
0x1f: {  	_ =	swait.ge @!p0 [sflag:s11], $0x10000  }
0x20: {  	[sflag:s11] =	ssyncset.done @!p0 $0x0  }
0x21: {  	s12 =	simm.s32 $0x0;
	[sflag:s11] =	ssyncadd.s32 @!p0 $0xFFFF0000;
	s11 =	simm.s32 $0x0  }
.LBB2_3:
0x22: {  	v1 =	vmov s12  }
0x23: {  	v1 =	vshll.u32 v1, $0x7  }
0x24: {  	v1 =	vor.u32 v0, v1;
	_ =	sdelay $0x4  }
0x25: {  	v2 =	vld.idx.msk [tilespmem:v1+s2+$0x0], $0xffff;
	_ =	sdelay $0x4  }
0x26: {  	(erf) = vrcp.f32 v2;
	_ =	sdelay $0x5  }
0x27: {  	v2 =	vor.u32 $0x1, v1;
	_ =	sdelay $0x1  }
0x28: {  	s13 =	sand.u32 $0x70, s12;
	s14 =	sand.u32 $0xC00, s11  }
0x29: {  	s13 =	sor.u32 s13, s14;
	v3 =	vpop (erf)  }
0x2a: {  	[tilespmem:s13+$0x10000] =	vst v3  }
0x2b: {  	v2 =	vld.idx.msk [tilespmem:v2+s2+$0x0], $0xffff;
	_ =	sdelay $0x4  }
0x2c: {  	(erf) = vrcp.f32 v2;
	_ =	sdelay $0x5  }
0x2d: {  	v2 =	vor.u32 $0x2, v1;
	_ =	sdelay $0x2  }
0x2e: {  	v3 =	vpop (erf)  }
0x2f: {  	[tilespmem:s13+$0x10080] =	vst v3  }
0x30: {  	v2 =	vld.idx.msk [tilespmem:v2+s2+$0x0], $0xffff;
	_ =	sdelay $0x4  }
0x31: {  	(erf) = vrcp.f32 v2;
	_ =	sdelay $0x5  }
0x32: {  	v2 =	vor.u32 $0x3, v1;
	_ =	sdelay $0x2  }
0x33: {  	v3 =	vpop (erf)  }
0x34: {  	[tilespmem:s13+$0x10100] =	vst v3  }
0x35: {  	v2 =	vld.idx.msk [tilespmem:v2+s2+$0x0], $0xffff;
	_ =	sdelay $0x4  }
0x36: {  	(erf) = vrcp.f32 v2;
	_ =	sdelay $0x5  }
0x37: {  	v2 =	vor.u32 $0x4, v1;
	_ =	sdelay $0x2  }
0x38: {  	v3 =	vpop (erf)  }
0x39: {  	[tilespmem:s13+$0x10180] =	vst v3  }
0x3a: {  	v2 =	vld.idx.msk [tilespmem:v2+s2+$0x0], $0xffff;
	_ =	sdelay $0x4  }
0x3b: {  	(erf) = vrcp.f32 v2;
	_ =	sdelay $0x5  }
0x3c: {  	v2 =	vor.u32 $0x5, v1;
	_ =	sdelay $0x2  }
0x3d: {  	v3 =	vpop (erf)  }
0x3e: {  	[tilespmem:s13+$0x10200] =	vst v3  }
0x3f: {  	v2 =	vld.idx.msk [tilespmem:v2+s2+$0x0], $0xffff;
	_ =	sdelay $0x4  }
0x40: {  	(erf) = vrcp.f32 v2;
	_ =	sdelay $0x5  }
0x41: {  	v2 =	vor.u32 $0x6, v1;
	_ =	sdelay $0x2  }
0x42: {  	v3 =	vpop (erf)  }
0x43: {  	[tilespmem:s13+$0x10280] =	vst v3  }
0x44: {  	v2 =	vld.idx.msk [tilespmem:v2+s2+$0x0], $0xffff;
	_ =	sdelay $0x4  }
0x45: {  	(erf) = vrcp.f32 v2;
	_ =	sdelay $0x5  }
0x46: {  	v2 =	vor.u32 $0x7, v1;
	_ =	sdelay $0x2  }
0x47: {  	v3 =	vpop (erf)  }
0x48: {  	[tilespmem:s13+$0x10300] =	vst v3  }
0x49: {  	v2 =	vld.idx.msk [tilespmem:v2+s2+$0x0], $0xffff;
	_ =	sdelay $0x4  }
0x4a: {  	(erf) = vrcp.f32 v2;
	_ =	sdelay $0x5  }
0x4b: {  	v2 =	vor.u32 $0x8, v1;
	_ =	sdelay $0x1  }
0x4c: {  	s31 =	sor.u32 s11, s12  }
0x4d: {  	s14 =	sor.u32 $0x380, s31;
	v3 =	vpop (erf)  }
0x4e: {  	[tilespmem:s14+$0x10000] =	vst v3  }
0x4f: {  	v2 =	vld.idx.msk [tilespmem:v2+s2+$0x0], $0xffff;
	_ =	sdelay $0x4  }
0x50: {  	(erf) = vrcp.f32 v2;
	_ =	sdelay $0x5  }
0x51: {  	v2 =	vor.u32 $0x9, v1;
	_ =	sdelay $0x2  }
0x52: {  	v3 =	vpop (erf)  }
0x53: {  	[tilespmem:s13+$0x11000] =	vst v3  }
0x54: {  	v2 =	vld.idx.msk [tilespmem:v2+s2+$0x0], $0xffff;
	_ =	sdelay $0x4  }
0x55: {  	(erf) = vrcp.f32 v2;
	_ =	sdelay $0x5  }
0x56: {  	v2 =	vor.u32 $0xA, v1;
	_ =	sdelay $0x2  }
0x57: {  	v3 =	vpop (erf)  }
0x58: {  	[tilespmem:s13+$0x11080] =	vst v3  }
0x59: {  	v2 =	vld.idx.msk [tilespmem:v2+s2+$0x0], $0xffff;
	_ =	sdelay $0x4  }
0x5a: {  	(erf) = vrcp.f32 v2;
	_ =	sdelay $0x5  }
0x5b: {  	v2 =	vor.u32 $0xB, v1;
	_ =	sdelay $0x2  }
0x5c: {  	v3 =	vpop (erf)  }
0x5d: {  	[tilespmem:s13+$0x11100] =	vst v3  }
0x5e: {  	v2 =	vld.idx.msk [tilespmem:v2+s2+$0x0], $0xffff;
	_ =	sdelay $0x4  }
0x5f: {  	(erf) = vrcp.f32 v2;
	_ =	sdelay $0x5  }
0x60: {  	v2 =	vor.u32 $0xC, v1;
	_ =	sdelay $0x2  }
0x61: {  	v3 =	vpop (erf)  }
0x62: {  	[tilespmem:s13+$0x11180] =	vst v3  }
0x63: {  	v2 =	vld.idx.msk [tilespmem:v2+s2+$0x0], $0xffff;
	_ =	sdelay $0x4  }
0x64: {  	(erf) = vrcp.f32 v2;
	_ =	sdelay $0x5  }
0x65: {  	v2 =	vor.u32 $0xD, v1;
	_ =	sdelay $0x2  }
0x66: {  	v3 =	vpop (erf)  }
0x67: {  	[tilespmem:s13+$0x11200] =	vst v3  }
0x68: {  	v2 =	vld.idx.msk [tilespmem:v2+s2+$0x0], $0xffff;
	_ =	sdelay $0x4  }
0x69: {  	(erf) = vrcp.f32 v2;
	_ =	sdelay $0x5  }
0x6a: {  	v2 =	vor.u32 $0xE, v1;
	_ =	sdelay $0x2  }
0x6b: {  	v3 =	vpop (erf)  }
0x6c: {  	[tilespmem:s13+$0x11280] =	vst v3  }
0x6d: {  	v2 =	vld.idx.msk [tilespmem:v2+s2+$0x0], $0xffff;
	_ =	sdelay $0x4  }
0x6e: {  	(erf) = vrcp.f32 v2;
	_ =	sdelay $0x5  }
0x6f: {  	v1 =	vor.u32 $0xF, v1;
	_ =	sdelay $0x2  }
0x70: {  	v2 =	vpop (erf)  }
0x71: {  	[tilespmem:s13+$0x11300] =	vst v2  }
0x72: {  	v1 =	vld.idx.msk [tilespmem:v1+s2+$0x0], $0xffff;
	_ =	sdelay $0x4  }
0x73: {  	(erf) = vrcp.f32 v1;
	_ =	sdelay $0x4  }
0x74: {  	p1 =	sne.s32 s12, $0x1F0  }
.Ltmp1:
0x75: {  	_ = 	snop;
	(pc) =	sbr.rel @p1 .LBB2_3-.Ltmp1, $3  }
0x76: {  	_ =	sdelay $0x1  }
0x77: {  	v1 =	vpop (erf)  }
0x78: {  	s11 =	sadd.s32 $0x80, s11;
	s12 =	sadd.s32 $0x10, s12;
	[tilespmem:s13+$0x11380] =	vst v1  }
0x79: {  	s10 =	sadd.s32 $0x1, s10  }
0x7a: {  	p1 =	sne.s32 s10, s5  }
.Ltmp2:
0x7b: {  	_ = 	snop;
	(pc) =	sbr.rel @p1 .LBB2_2-.Ltmp2, $4  }
0x7c: {  	[hbm4b:s3+s6] =	stream.strided.scatter [tilespmem:s8], [sflag:$0x1], $0x2000, s7, s6, $0x38;
	[tilespmem:$0x12000] =	vst v63  }
0x7d: {  	_ =	swait.ge [sflag:s9], $0x2000  }
0x7e: {  	[sflag:s9] =	ssyncset.done $0x0  }
0x7f: {  	[sflag:s9] =	ssyncadd.s32 $0xFFFFE000  }
.LBB2_5:
0x80: {  	_ =	sfence.sel $0x180000  }
0x81: {  	[bflag:$0x0] =	sbarrier.arrive $0xFFFF  }
0x82: {  	p0 =	sne.s32 s1, $0x0;
	_ =	strace $0x90000047  }
0x83: {  	s0 =	sadd.s32 @!p0 $0x100000, s0;
	[bflag:$0x2] =	sbarrier.arrive $0xFFFF  }
0x84: {  	[sflag:s0] =	ssyncadd.tile.s32 @!p0 $0x1;
	_ =	shalt  }
.Lfunc_end2:
_tile_overlayer_lowered:
.L_overlay_start_2:
0x85: {  	(tag) =	ssettag $0x2  }
0x86: {  	s0 =	rddreg [dreg:$0x0];
	s2 =	stileid.u32  }
0x87: {  	s1 =	rddreg [dreg:$0x1];
	p0 =	sne.s32 s2, $0x0  }
0x88: {  	s3 =	rddreg [dreg:$0x2];
	[bflag:$0x3] =	sbarrier.arrive $0xFFFF;
	s2 =	simm.s32 @!p0 $0x1C01  }
0x89: {  	[timem:s3], [sflag:s2] =	dma.local @!p0 [hbm:s0], s1  }
0x8a: {  	s0 =	simm.s32 @!p0 $0x1  }
0x8b: {  	_ =	swait.ge @!p0 [sflag:s0], s1  }
0x8c: {  	s1 =	ssub.s32 @!p0 $0x0, s1;
	[sflag:s0] =	ssyncset.done @!p0 $0x0  }
0x8d: {  	[sflag:s0] =	ssyncadd.s32 @!p0 s1  }
0x8e: {  	[bflag:$0x3] =	sbarrier.arrive $0xFFFF  }
0x8f: {  	_ =	shalt  }

</sc_bundles>
